<compile_context>
chip_gen: v7x
topology: tpu7x:2x2x1
jax: 0.10.2.dev20260603
libtpu: 0.0.44.dev20260713+nightly
codegen_flags: <defaults>
</compile_context>

<pallas_src>
import functools

import jax
import jax.numpy as jnp
from jax import lax
from jax.experimental import pallas as pl
from jax.experimental.pallas import tpu as pltpu
from jax.experimental.pallas import tpu_sc as plsc

_HID = 768
_PD = 128
_GD = 576
_TD = 32
_GDP = 640
_TDP = 128
_EPS = 1e-12


def _sc_gather(pin_ids, gly_ids, tag_ids, pin_tab, gly_tab, tag_tab):
    nt = pin_ids.shape[0]
    info = plsc.get_sparse_core_info()
    nw = info.num_cores * info.num_subcores
    bpw = nt // nw
    ch = 64
    nch = bpw // ch
    mesh = plsc.VectorSubcoreMesh(core_axis_name="c", subcore_axis_name="s")

    @functools.partial(
        pl.kernel,
        mesh=mesh,
        out_type=(
            jax.ShapeDtypeStruct((nt, _PD), jnp.float32),
            jax.ShapeDtypeStruct((nt, _GDP), jnp.float32),
            jax.ShapeDtypeStruct((nt, _TDP), jnp.float32),
        ),
        scratch_types=[
            pltpu.VMEM((ch,), jnp.int32),
            pltpu.VMEM((ch,), jnp.int32),
            pltpu.VMEM((ch,), jnp.int32),
            pltpu.VMEM((ch, _PD), jnp.float32),
            pltpu.VMEM((ch, _GDP), jnp.float32),
            pltpu.VMEM((ch, _TDP), jnp.float32),
            pltpu.SemaphoreType.DMA,
        ],
    )
    def body(pin_ids_h, gly_ids_h, tag_ids_h, pin_tab_h, gly_tab_h, tag_tab_h,
             pin_out, gly_out, tag_out,
             pin_idx, gly_idx, tag_idx, pin_rows, gly_rows, tag_rows, sem):
        wid = lax.axis_index("s") * info.num_cores + lax.axis_index("c")
        base = wid * bpw

        def chunk(c, carry):
            off = base + c * ch
            pltpu.sync_copy(pin_ids_h.at[pl.ds(off, ch)], pin_idx)
            pltpu.sync_copy(gly_ids_h.at[pl.ds(off, ch)], gly_idx)
            pltpu.sync_copy(tag_ids_h.at[pl.ds(off, ch)], tag_idx)
            cp1 = pltpu.async_copy(pin_tab_h.at[pin_idx], pin_rows, sem)
            cp2 = pltpu.async_copy(gly_tab_h.at[gly_idx], gly_rows, sem)
            cp3 = pltpu.async_copy(tag_tab_h.at[tag_idx], tag_rows, sem)
            cp1.wait()
            cp2.wait()
            cp3.wait()
            pltpu.sync_copy(pin_rows, pin_out.at[pl.ds(off, ch)])
            pltpu.sync_copy(gly_rows, gly_out.at[pl.ds(off, ch)])
            pltpu.sync_copy(tag_rows, tag_out.at[pl.ds(off, ch)])
            return carry

        lax.fori_loop(0, nch, chunk, 0)

    return body(pin_ids, gly_ids, tag_ids, pin_tab, gly_tab, tag_tab)


def _tc_fused(word, pin_emb, gly_emb, tag_emb, w1, w2, w3, w4, bvec, pos,
              gamma, beta):
    m = word.shape[0]
    bm = 512
    grid = (m // bm,)

    def body(w_ref, p_ref, g_ref, t_ref, w1r, w2r, w3r, w4r, br, posr, gr,
             ber, out_ref):
        bf = jnp.bfloat16
        acc = jnp.dot(w_ref[...].astype(bf), w1r[...].astype(bf),
                      preferred_element_type=jnp.float32)
        acc = acc + jnp.dot(p_ref[...].astype(bf), w2r[...].astype(bf),
                            preferred_element_type=jnp.float32)
        acc = acc + jnp.dot(g_ref[...].astype(bf), w3r[...].astype(bf),
                            preferred_element_type=jnp.float32)
        acc = acc + jnp.dot(t_ref[...].astype(bf), w4r[...].astype(bf),
                            preferred_element_type=jnp.float32)
        x = acc + br[...] + posr[...]
        mu = jnp.mean(x, axis=-1, keepdims=True)
        xc = x - mu
        var = jnp.mean(xc * xc, axis=-1, keepdims=True)
        out_ref[...] = xc * lax.rsqrt(var + _EPS) * gr[...] + ber[...]

    return pl.pallas_call(
        body,
        grid=grid,
        in_specs=[
            pl.BlockSpec((bm, _HID), lambda i: (i, 0)),
            pl.BlockSpec((bm, _PD), lambda i: (i, 0)),
            pl.BlockSpec((bm, _GDP), lambda i: (i, 0)),
            pl.BlockSpec((bm, _TDP), lambda i: (i, 0)),
            pl.BlockSpec((_HID, _HID), lambda i: (0, 0)),
            pl.BlockSpec((_PD, _HID), lambda i: (0, 0)),
            pl.BlockSpec((_GDP, _HID), lambda i: (0, 0)),
            pl.BlockSpec((_TDP, _HID), lambda i: (0, 0)),
            pl.BlockSpec((1, _HID), lambda i: (0, 0)),
            pl.BlockSpec((bm, _HID), lambda i: (0, 0)),
            pl.BlockSpec((1, _HID), lambda i: (0, 0)),
            pl.BlockSpec((1, _HID), lambda i: (0, 0)),
        ],
        out_specs=pl.BlockSpec((bm, _HID), lambda i: (i, 0)),
        out_shape=jax.ShapeDtypeStruct((m, _HID), jnp.float32),
    )(word, pin_emb, gly_emb, tag_emb, w1, w2, w3, w4, bvec, pos, gamma, beta)


def kernel(word_embeddings, pinyin_ids, glyph_ids, pos_ids, pinyin_table,
           glyph_table, tag_table, pos_table, fc_w, fc_b, ln_gamma, ln_beta):
    b, l, h = word_embeddings.shape
    nt = b * l
    pin_ids = pinyin_ids.reshape(nt).astype(jnp.int32)
    gly_ids = glyph_ids.reshape(nt).astype(jnp.int32)
    tag_ids = pos_ids.reshape(nt).astype(jnp.int32)

    gly_tab_p = jnp.pad(glyph_table, ((0, 0), (0, _GDP - _GD)))
    tag_tab_p = jnp.pad(tag_table, ((0, 0), (0, _TDP - _TD)))

    pin_emb, gly_emb, tag_emb = _sc_gather(
        pin_ids, gly_ids, tag_ids, pinyin_table, gly_tab_p, tag_tab_p)

    w1 = fc_w[:h]
    w2 = fc_w[h:h + _PD]
    w3 = jnp.pad(fc_w[h + _PD:h + _PD + _GD], ((0, _GDP - _GD), (0, 0)))
    w4 = jnp.pad(fc_w[h + _PD + _GD:], ((0, _TDP - _TD), (0, 0)))

    out = _tc_fused(
        word_embeddings.reshape(nt, h), pin_emb, gly_emb, tag_emb,
        w1, w2, w3, w4,
        fc_b.reshape(1, h), pos_table,
        ln_gamma.reshape(1, h), ln_beta.reshape(1, h))
    return out.reshape(b, l, h)

# --- scband reference (transcript-rebuilt; emitter-appended) ---
"""Pipeline reference for scband-fusion-embedding-79302276153659 (READ-ONLY COPY).

The authoritative reference and input builder live on the scoring server;
editing this copy changes nothing except your own understanding.
"""

import jax, jax.numpy as jnp
import numpy as np

HIDDEN = 768
PINYIN_DIM = 128
GLYPH_DIM = 24 ** 2  # 576
TAG_DIM = 32
GLYPH_VOCAB = 23236
PINYIN_VOCAB = 1502
TAG_VOCAB = 64
MAX_POS = 512
B, L = 64, 512
EPS = 1e-12


def setup_inputs(seed: int = 0) -> dict:
    key = jax.random.key(seed)
    ks = jax.random.split(key, 12)
    word_embeddings = jax.random.normal(ks[0], (B, L, HIDDEN), dtype=jnp.float32)
    pinyin_ids = jax.random.randint(ks[1], (B, L), 0, PINYIN_VOCAB, dtype=jnp.int64 if jax.config.jax_enable_x64 else jnp.int32)
    glyph_ids = jax.random.randint(ks[2], (B, L), 0, GLYPH_VOCAB, dtype=jnp.int64 if jax.config.jax_enable_x64 else jnp.int32)
    pos_ids = jax.random.randint(ks[3], (B, L), 0, TAG_VOCAB, dtype=jnp.int64 if jax.config.jax_enable_x64 else jnp.int32)
    bp = (3.0 / PINYIN_DIM) ** 0.5
    bt = (3.0 / TAG_DIM) ** 0.5
    pinyin_table = jax.random.uniform(ks[4], (PINYIN_VOCAB, PINYIN_DIM), minval=-bp, maxval=bp, dtype=jnp.float32)
    pinyin_table = pinyin_table.at[0].set(0.0)  # padding_idx=0
    glyph_table = jax.random.normal(ks[5], (GLYPH_VOCAB, GLYPH_DIM), dtype=jnp.float32)  # stands in for np.load(font_weight_path)
    tag_table = jax.random.uniform(ks[6], (TAG_VOCAB, TAG_DIM), minval=-bt, maxval=bt, dtype=jnp.float32)
    tag_table = tag_table.at[0].set(0.0)  # padding_idx=0
    pos_table = jax.random.normal(ks[7], (MAX_POS, HIDDEN), dtype=jnp.float32) * 0.02
    fc_in = HIDDEN + PINYIN_DIM + GLYPH_DIM + TAG_DIM  # 1504
    lim = (1.0 / fc_in) ** 0.5
    fc_w = jax.random.uniform(ks[8], (fc_in, HIDDEN), minval=-lim, maxval=lim, dtype=jnp.float32)
    fc_b = jax.random.uniform(ks[9], (HIDDEN,), minval=-lim, maxval=lim, dtype=jnp.float32)
    ln_gamma = jnp.ones((HIDDEN,), dtype=jnp.float32)
    ln_beta = jnp.zeros((HIDDEN,), dtype=jnp.float32)
    return {
        'word_embeddings': word_embeddings,
        'pinyin_ids': pinyin_ids,
        'glyph_ids': glyph_ids,
        'pos_ids': pos_ids,
        'pinyin_table': pinyin_table,
        'glyph_table': glyph_table,
        'tag_table': tag_table,
        'pos_table': pos_table,
        'fc_w': fc_w,
        'fc_b': fc_b,
        'ln_gamma': ln_gamma,
        'ln_beta': ln_beta,
    }


def reference(word_embeddings, pinyin_ids, glyph_ids, pos_ids, pinyin_table,
              glyph_table, tag_table, pos_table, fc_w, fc_b, ln_gamma, ln_beta):
    seq_length = pinyin_ids.shape[1]
    pinyin_emb = jnp.take(pinyin_table, pinyin_ids, axis=0)
    glyph_emb = jnp.take(glyph_table, glyph_ids, axis=0)
    tag_emb = jnp.take(tag_table, pos_ids, axis=0)
    concat_embeddings = jnp.concatenate((word_embeddings, pinyin_emb, glyph_emb, tag_emb), axis=2)
    fusion_embed = jnp.dot(concat_embeddings, fc_w) + fc_b
    position_ids = jnp.arange(seq_length)
    position_embeddings = jnp.take(pos_table, position_ids, axis=0)[None, :, :]
    embeddings = fusion_embed + position_embeddings
    mean = jnp.mean(embeddings, axis=-1, keepdims=True)
    var = jnp.mean((embeddings - mean) ** 2, axis=-1, keepdims=True)
    normed = (embeddings - mean) / jnp.sqrt(var + EPS)
    out = normed * ln_gamma + ln_beta
    # dropout is identity in eval mode
    return out

if __name__ == "__main__":
    import jax
    _d = setup_inputs()
    print(jax.jit(kernel)(*tuple(_d.values())))

</pallas_src>

<mosaic_0001>
#map = affine_map<(d0, d1) -> (0)>
#map1 = affine_map<(d0, d1) -> (0, 0)>
module attributes {stable_mosaic.version = 14 : i64} {
  func.func @body(%arg0: i32, %arg1: i32, %arg2: memref<32768xi32, #tpu.memory_space<hbm>>, %arg3: memref<32768xi32, #tpu.memory_space<hbm>>, %arg4: memref<32768xi32, #tpu.memory_space<hbm>>, %arg5: memref<1502x128xf32, #tpu.memory_space<hbm>>, %arg6: memref<23236x640xf32, #tpu.memory_space<hbm>>, %arg7: memref<64x128xf32, #tpu.memory_space<hbm>>, %arg8: memref<32768x128xf32, #tpu.memory_space<hbm>>, %arg9: memref<32768x640xf32, #tpu.memory_space<hbm>>, %arg10: memref<32768x128xf32, #tpu.memory_space<hbm>>, %arg11: memref<64xi32, #tpu.memory_space<vmem>>, %arg12: memref<64xi32, #tpu.memory_space<vmem>>, %arg13: memref<64xi32, #tpu.memory_space<vmem>>, %arg14: memref<64x128xf32, #tpu.memory_space<vmem>>, %arg15: memref<64x640xf32, #tpu.memory_space<vmem>>, %arg16: memref<64x128xf32, #tpu.memory_space<vmem>>, %arg17: memref<!tpu.dma_semaphore, #tpu.memory_space<semaphore_mem>>) attributes {dimension_semantics = [#tpu.dimension_semantics<core_parallel>, #tpu.dimension_semantics<subcore_parallel>], iteration_bounds = array<i64: 2, 16>, scalar_prefetch = 0 : i64, scratch_operands = 7 : i64, tpu.core_type = #tpu.core_type<sc_vector_subcore>, window_params = [{transform_indices = #map}, {transform_indices = #map}, {transform_indices = #map}, {transform_indices = #map1}, {transform_indices = #map1}, {transform_indices = #map1}, {transform_indices = #map1}, {transform_indices = #map1}, {transform_indices = #map1}]} {
    %mul3A = arith.constant 2 : i32
    %mul3A_0 = arith.muli %arg1, %mul3A : i32
    %add3A = arith.addi %mul3A_0, %arg0 : i32
    %mul3A_1 = arith.constant 1024 : i32
    %mul3A_2 = arith.muli %add3A, %mul3A_1 : i32
    %scan3A = arith.constant 0 : i32
    %scan3A_3 = arith.constant 0 : i32
    %scan3A_4 = arith.constant 16 : i32
    %scan3A_5 = arith.addi %scan3A_3, %scan3A_4 : i32
    %scan3A_6 = arith.constant 1 : i32
    scf.for %scan3A_8 = %scan3A_3 to %scan3A_5 step %scan3A_6  : i32 {
      %mul3A_9 = arith.constant 64 : i32
      %mul3A_10 = arith.muli %scan3A_8, %mul3A_9 : i32
      %add3A_11 = arith.addi %mul3A_2, %mul3A_10 : i32
      "tpu.region"() ({
        %run_scoped3A = tpu.sem_alloc : memref<!tpu.dma_semaphore, #tpu.memory_space<semaphore_mem>>
        %dma_start3A_28 = tpu.memref_slice %arg2[%add3A_11] : memref<32768xi32, #tpu.memory_space<hbm>> -> memref<64xi32, #tpu.memory_space<hbm>>
        %dma_start3A_29 = tpu.memref_slice %arg2[%add3A_11] : memref<32768xi32, #tpu.memory_space<hbm>> -> memref<64xi32, #tpu.memory_space<hbm>>
        tpu.enqueue_dma source(%dma_start3A_29 : memref<64xi32, #tpu.memory_space<hbm>>) target(%arg11 : memref<64xi32, #tpu.memory_space<vmem>>) target_semaphore(%run_scoped3A : memref<!tpu.dma_semaphore, #tpu.memory_space<semaphore_mem>>)
        %dma_wait3A_30 = tpu.memref_slice %arg2[%add3A_11] : memref<32768xi32, #tpu.memory_space<hbm>> -> memref<64xi32, #tpu.memory_space<hbm>>
        %dma_wait3A_31 = tpu.memref_slice %arg2[%add3A_11] : memref<32768xi32, #tpu.memory_space<hbm>> -> memref<64xi32, #tpu.memory_space<hbm>>
        tpu.wait_dma2 semaphore(%run_scoped3A : memref<!tpu.dma_semaphore, #tpu.memory_space<semaphore_mem>>) src(%dma_wait3A_31 : memref<64xi32, #tpu.memory_space<hbm>>) dst(%arg11 : memref<64xi32, #tpu.memory_space<vmem>>)
        tpu.yield
      }) : () -> ()
      "tpu.region"() ({
        %run_scoped3A = tpu.sem_alloc : memref<!tpu.dma_semaphore, #tpu.memory_space<semaphore_mem>>
        %dma_start3A_28 = tpu.memref_slice %arg3[%add3A_11] : memref<32768xi32, #tpu.memory_space<hbm>> -> memref<64xi32, #tpu.memory_space<hbm>>
        %dma_start3A_29 = tpu.memref_slice %arg3[%add3A_11] : memref<32768xi32, #tpu.memory_space<hbm>> -> memref<64xi32, #tpu.memory_space<hbm>>
        tpu.enqueue_dma source(%dma_start3A_29 : memref<64xi32, #tpu.memory_space<hbm>>) target(%arg12 : memref<64xi32, #tpu.memory_space<vmem>>) target_semaphore(%run_scoped3A : memref<!tpu.dma_semaphore, #tpu.memory_space<semaphore_mem>>)
        %dma_wait3A_30 = tpu.memref_slice %arg3[%add3A_11] : memref<32768xi32, #tpu.memory_space<hbm>> -> memref<64xi32, #tpu.memory_space<hbm>>
        %dma_wait3A_31 = tpu.memref_slice %arg3[%add3A_11] : memref<32768xi32, #tpu.memory_space<hbm>> -> memref<64xi32, #tpu.memory_space<hbm>>
        tpu.wait_dma2 semaphore(%run_scoped3A : memref<!tpu.dma_semaphore, #tpu.memory_space<semaphore_mem>>) src(%dma_wait3A_31 : memref<64xi32, #tpu.memory_space<hbm>>) dst(%arg12 : memref<64xi32, #tpu.memory_space<vmem>>)
        tpu.yield
      }) : () -> ()
      "tpu.region"() ({
        %run_scoped3A = tpu.sem_alloc : memref<!tpu.dma_semaphore, #tpu.memory_space<semaphore_mem>>
        %dma_start3A_28 = tpu.memref_slice %arg4[%add3A_11] : memref<32768xi32, #tpu.memory_space<hbm>> -> memref<64xi32, #tpu.memory_space<hbm>>
        %dma_start3A_29 = tpu.memref_slice %arg4[%add3A_11] : memref<32768xi32, #tpu.memory_space<hbm>> -> memref<64xi32, #tpu.memory_space<hbm>>
        tpu.enqueue_dma source(%dma_start3A_29 : memref<64xi32, #tpu.memory_space<hbm>>) target(%arg13 : memref<64xi32, #tpu.memory_space<vmem>>) target_semaphore(%run_scoped3A : memref<!tpu.dma_semaphore, #tpu.memory_space<semaphore_mem>>)
        %dma_wait3A_30 = tpu.memref_slice %arg4[%add3A_11] : memref<32768xi32, #tpu.memory_space<hbm>> -> memref<64xi32, #tpu.memory_space<hbm>>
        %dma_wait3A_31 = tpu.memref_slice %arg4[%add3A_11] : memref<32768xi32, #tpu.memory_space<hbm>> -> memref<64xi32, #tpu.memory_space<hbm>>
        tpu.wait_dma2 semaphore(%run_scoped3A : memref<!tpu.dma_semaphore, #tpu.memory_space<semaphore_mem>>) src(%dma_wait3A_31 : memref<64xi32, #tpu.memory_space<hbm>>) dst(%arg13 : memref<64xi32, #tpu.memory_space<vmem>>)
        tpu.yield
      }) : () -> ()
      %dma_start3A = arith.constant 0 : i32
      %dma_start3A_12 = arith.constant 0 : i32
      %dma_start3A_13 = tpu.memref_slice %arg5[%dma_start3A, %dma_start3A_12] : memref<1502x128xf32, #tpu.memory_space<hbm>> -> memref<1502x128xf32, #tpu.memory_space<hbm>>
      tpu.enqueue_indirect_dma source(%dma_start3A_13 : memref<1502x128xf32, #tpu.memory_space<hbm>>) target(%arg14 : memref<64x128xf32, #tpu.memory_space<vmem>>) offsets(%arg11 : memref<64xi32, #tpu.memory_space<vmem>>) semaphore(%arg17 : memref<!tpu.dma_semaphore, #tpu.memory_space<semaphore_mem>>)
      %dma_start3A_14 = arith.constant 0 : i32
      %dma_start3A_15 = arith.constant 0 : i32
      %dma_start3A_16 = tpu.memref_slice %arg6[%dma_start3A_14, %dma_start3A_15] : memref<23236x640xf32, #tpu.memory_space<hbm>> -> memref<23236x640xf32, #tpu.memory_space<hbm>>
      tpu.enqueue_indirect_dma source(%dma_start3A_16 : memref<23236x640xf32, #tpu.memory_space<hbm>>) target(%arg15 : memref<64x640xf32, #tpu.memory_space<vmem>>) offsets(%arg12 : memref<64xi32, #tpu.memory_space<vmem>>) semaphore(%arg17 : memref<!tpu.dma_semaphore, #tpu.memory_space<semaphore_mem>>)
      %dma_start3A_17 = arith.constant 0 : i32
      %dma_start3A_18 = arith.constant 0 : i32
      %dma_start3A_19 = tpu.memref_slice %arg7[%dma_start3A_17, %dma_start3A_18] : memref<64x128xf32, #tpu.memory_space<hbm>> -> memref<64x128xf32, #tpu.memory_space<hbm>>
      tpu.enqueue_indirect_dma source(%dma_start3A_19 : memref<64x128xf32, #tpu.memory_space<hbm>>) target(%arg16 : memref<64x128xf32, #tpu.memory_space<vmem>>) offsets(%arg13 : memref<64xi32, #tpu.memory_space<vmem>>) semaphore(%arg17 : memref<!tpu.dma_semaphore, #tpu.memory_space<semaphore_mem>>)
      %dma_wait3A = arith.constant 0 : i32
      %dma_wait3A_20 = arith.constant 0 : i32
      %dma_wait3A_21 = tpu.memref_slice %arg5[%dma_wait3A, %dma_wait3A_20] : memref<1502x128xf32, #tpu.memory_space<hbm>> -> memref<1502x128xf32, #tpu.memory_space<hbm>>
      tpu.wait_indirect_dma semaphore(%arg17 : memref<!tpu.dma_semaphore, #tpu.memory_space<semaphore_mem>>) src(%dma_wait3A_21 : memref<1502x128xf32, #tpu.memory_space<hbm>>) dst(%arg14 : memref<64x128xf32, #tpu.memory_space<vmem>>)
      %dma_wait3A_22 = arith.constant 0 : i32
      %dma_wait3A_23 = arith.constant 0 : i32
      %dma_wait3A_24 = tpu.memref_slice %arg6[%dma_wait3A_22, %dma_wait3A_23] : memref<23236x640xf32, #tpu.memory_space<hbm>> -> memref<23236x640xf32, #tpu.memory_space<hbm>>
      tpu.wait_indirect_dma semaphore(%arg17 : memref<!tpu.dma_semaphore, #tpu.memory_space<semaphore_mem>>) src(%dma_wait3A_24 : memref<23236x640xf32, #tpu.memory_space<hbm>>) dst(%arg15 : memref<64x640xf32, #tpu.memory_space<vmem>>)
      %dma_wait3A_25 = arith.constant 0 : i32
      %dma_wait3A_26 = arith.constant 0 : i32
      %dma_wait3A_27 = tpu.memref_slice %arg7[%dma_wait3A_25, %dma_wait3A_26] : memref<64x128xf32, #tpu.memory_space<hbm>> -> memref<64x128xf32, #tpu.memory_space<hbm>>
      tpu.wait_indirect_dma semaphore(%arg17 : memref<!tpu.dma_semaphore, #tpu.memory_space<semaphore_mem>>) src(%dma_wait3A_27 : memref<64x128xf32, #tpu.memory_space<hbm>>) dst(%arg16 : memref<64x128xf32, #tpu.memory_space<vmem>>)
      "tpu.region"() ({
        %run_scoped3A = tpu.sem_alloc : memref<!tpu.dma_semaphore, #tpu.memory_space<semaphore_mem>>
        %dma_start3A_28 = arith.constant 0 : i32
        %dma_start3A_29 = tpu.memref_slice %arg8[%add3A_11, %dma_start3A_28] : memref<32768x128xf32, #tpu.memory_space<hbm>> -> memref<64x128xf32, #tpu.memory_space<hbm>>
        %dma_start3A_30 = arith.constant 0 : i32
        %dma_start3A_31 = tpu.memref_slice %arg8[%add3A_11, %dma_start3A_30] : memref<32768x128xf32, #tpu.memory_space<hbm>> -> memref<64x128xf32, #tpu.memory_space<hbm>>
        tpu.enqueue_dma source(%arg14 : memref<64x128xf32, #tpu.memory_space<vmem>>) target(%dma_start3A_31 : memref<64x128xf32, #tpu.memory_space<hbm>>) target_semaphore(%run_scoped3A : memref<!tpu.dma_semaphore, #tpu.memory_space<semaphore_mem>>)
        %dma_wait3A_32 = arith.constant 0 : i32
        %dma_wait3A_33 = tpu.memref_slice %arg8[%add3A_11, %dma_wait3A_32] : memref<32768x128xf32, #tpu.memory_space<hbm>> -> memref<64x128xf32, #tpu.memory_space<hbm>>
        %dma_wait3A_34 = arith.constant 0 : i32
        %dma_wait3A_35 = tpu.memref_slice %arg8[%add3A_11, %dma_wait3A_34] : memref<32768x128xf32, #tpu.memory_space<hbm>> -> memref<64x128xf32, #tpu.memory_space<hbm>>
        tpu.wait_dma2 semaphore(%run_scoped3A : memref<!tpu.dma_semaphore, #tpu.memory_space<semaphore_mem>>) src(%arg14 : memref<64x128xf32, #tpu.memory_space<vmem>>) dst(%dma_wait3A_35 : memref<64x128xf32, #tpu.memory_space<hbm>>)
        tpu.yield
      }) : () -> ()
      "tpu.region"() ({
        %run_scoped3A = tpu.sem_alloc : memref<!tpu.dma_semaphore, #tpu.memory_space<semaphore_mem>>
        %dma_start3A_28 = arith.constant 0 : i32
        %dma_start3A_29 = tpu.memref_slice %arg9[%add3A_11, %dma_start3A_28] : memref<32768x640xf32, #tpu.memory_space<hbm>> -> memref<64x640xf32, #tpu.memory_space<hbm>>
        %dma_start3A_30 = arith.constant 0 : i32
        %dma_start3A_31 = tpu.memref_slice %arg9[%add3A_11, %dma_start3A_30] : memref<32768x640xf32, #tpu.memory_space<hbm>> -> memref<64x640xf32, #tpu.memory_space<hbm>>
        tpu.enqueue_dma source(%arg15 : memref<64x640xf32, #tpu.memory_space<vmem>>) target(%dma_start3A_31 : memref<64x640xf32, #tpu.memory_space<hbm>>) target_semaphore(%run_scoped3A : memref<!tpu.dma_semaphore, #tpu.memory_space<semaphore_mem>>)
        %dma_wait3A_32 = arith.constant 0 : i32
        %dma_wait3A_33 = tpu.memref_slice %arg9[%add3A_11, %dma_wait3A_32] : memref<32768x640xf32, #tpu.memory_space<hbm>> -> memref<64x640xf32, #tpu.memory_space<hbm>>
        %dma_wait3A_34 = arith.constant 0 : i32
        %dma_wait3A_35 = tpu.memref_slice %arg9[%add3A_11, %dma_wait3A_34] : memref<32768x640xf32, #tpu.memory_space<hbm>> -> memref<64x640xf32, #tpu.memory_space<hbm>>
        tpu.wait_dma2 semaphore(%run_scoped3A : memref<!tpu.dma_semaphore, #tpu.memory_space<semaphore_mem>>) src(%arg15 : memref<64x640xf32, #tpu.memory_space<vmem>>) dst(%dma_wait3A_35 : memref<64x640xf32, #tpu.memory_space<hbm>>)
        tpu.yield
      }) : () -> ()
      "tpu.region"() ({
        %run_scoped3A = tpu.sem_alloc : memref<!tpu.dma_semaphore, #tpu.memory_space<semaphore_mem>>
        %dma_start3A_28 = arith.constant 0 : i32
        %dma_start3A_29 = tpu.memref_slice %arg10[%add3A_11, %dma_start3A_28] : memref<32768x128xf32, #tpu.memory_space<hbm>> -> memref<64x128xf32, #tpu.memory_space<hbm>>
        %dma_start3A_30 = arith.constant 0 : i32
        %dma_start3A_31 = tpu.memref_slice %arg10[%add3A_11, %dma_start3A_30] : memref<32768x128xf32, #tpu.memory_space<hbm>> -> memref<64x128xf32, #tpu.memory_space<hbm>>
        tpu.enqueue_dma source(%arg16 : memref<64x128xf32, #tpu.memory_space<vmem>>) target(%dma_start3A_31 : memref<64x128xf32, #tpu.memory_space<hbm>>) target_semaphore(%run_scoped3A : memref<!tpu.dma_semaphore, #tpu.memory_space<semaphore_mem>>)
        %dma_wait3A_32 = arith.constant 0 : i32
        %dma_wait3A_33 = tpu.memref_slice %arg10[%add3A_11, %dma_wait3A_32] : memref<32768x128xf32, #tpu.memory_space<hbm>> -> memref<64x128xf32, #tpu.memory_space<hbm>>
        %dma_wait3A_34 = arith.constant 0 : i32
        %dma_wait3A_35 = tpu.memref_slice %arg10[%add3A_11, %dma_wait3A_34] : memref<32768x128xf32, #tpu.memory_space<hbm>> -> memref<64x128xf32, #tpu.memory_space<hbm>>
        tpu.wait_dma2 semaphore(%run_scoped3A : memref<!tpu.dma_semaphore, #tpu.memory_space<semaphore_mem>>) src(%arg16 : memref<64x128xf32, #tpu.memory_space<vmem>>) dst(%dma_wait3A_35 : memref<64x128xf32, #tpu.memory_space<hbm>>)
        tpu.yield
      }) : () -> ()
    }
    %scan3A_7 = arith.constant 16 : i32
    return
  }
}

module attributes {stable_mosaic.version = 14 : i64} {
  func.func @body(%arg0: i32, %arg1: memref<512x768xf32, #tpu.memory_space<vmem>>, %arg2: memref<512x128xf32, #tpu.memory_space<vmem>>, %arg3: memref<512x640xf32, #tpu.memory_space<vmem>>, %arg4: memref<512x128xf32, #tpu.memory_space<vmem>>, %arg5: memref<768x768xf32, #tpu.memory_space<vmem>>, %arg6: memref<128x768xf32, #tpu.memory_space<vmem>>, %arg7: memref<640x768xf32, #tpu.memory_space<vmem>>, %arg8: memref<128x768xf32, #tpu.memory_space<vmem>>, %arg9: memref<1x768xf32, #tpu.memory_space<vmem>>, %arg10: memref<512x768xf32, #tpu.memory_space<vmem>>, %arg11: memref<1x768xf32, #tpu.memory_space<vmem>>, %arg12: memref<1x768xf32, #tpu.memory_space<vmem>>, %arg13: memref<512x768xf32, #tpu.memory_space<vmem>>) attributes {dimension_semantics = [#tpu.dimension_semantics<arbitrary>], iteration_bounds = array<i64: 64>, scalar_prefetch = 0 : i64, scratch_operands = 0 : i64, tpu.core_type = #tpu.core_type<tc>, window_params = [{transform_indices = @transform_0, window_bounds = array<i64: 512, 768>}, {transform_indices = @transform_1, window_bounds = array<i64: 512, 128>}, {transform_indices = @transform_2, window_bounds = array<i64: 512, 640>}, {transform_indices = @transform_3, window_bounds = array<i64: 512, 128>}, {pipeline_mode = #tpu.pipeline_mode<synchronous>, transform_indices = @transform_4, window_bounds = array<i64: 768, 768>}, {pipeline_mode = #tpu.pipeline_mode<synchronous>, transform_indices = @transform_5, window_bounds = array<i64: 128, 768>}, {pipeline_mode = #tpu.pipeline_mode<synchronous>, transform_indices = @transform_6, window_bounds = array<i64: 640, 768>}, {pipeline_mode = #tpu.pipeline_mode<synchronous>, transform_indices = @transform_7, window_bounds = array<i64: 128, 768>}, {pipeline_mode = #tpu.pipeline_mode<synchronous>, transform_indices = @transform_8, window_bounds = array<i64: 1, 768>}, {pipeline_mode = #tpu.pipeline_mode<synchronous>, transform_indices = @transform_9, window_bounds = array<i64: 512, 768>}, {pipeline_mode = #tpu.pipeline_mode<synchronous>, transform_indices = @transform_10, window_bounds = array<i64: 1, 768>}, {pipeline_mode = #tpu.pipeline_mode<synchronous>, transform_indices = @transform_11, window_bounds = array<i64: 1, 768>}, {transform_indices = @transform_12, window_bounds = array<i64: 512, 768>}]} {
    %get3A = arith.constant 0 : index
    %get3A_0 = arith.constant 0 : index
    %get3A_1 = vector.load %arg1[%get3A, %get3A_0] : memref<512x768xf32, #tpu.memory_space<vmem>>, vector<512x768xf32>
    %convert_element_type3A = arith.truncf %get3A_1 : vector<512x768xf32> to vector<512x768xbf16>
    %get3A_2 = arith.constant 0 : index
    %get3A_3 = arith.constant 0 : index
    %get3A_4 = vector.load %arg5[%get3A_2, %get3A_3] : memref<768x768xf32, #tpu.memory_space<vmem>>, vector<768x768xf32>
    %convert_element_type3A_5 = arith.truncf %get3A_4 : vector<768x768xf32> to vector<768x768xbf16>
    %dot_general3A = arith.constant dense<0.000000e+00> : vector<512x768xf32>
    %dot_general3A_6 = tpu.matmul %convert_element_type3A, %convert_element_type3A_5, %dot_general3A {dimension_numbers = #tpu.dot_dimension_numbers<[1], [0], [0], [1], [0, 0, 1, 1], [], []>, transpose_lhs_hint = false} : vector<512x768xbf16>, vector<768x768xbf16>, vector<512x768xf32> -> vector<512x768xf32>
    %get3A_7 = arith.constant 0 : index
    %get3A_8 = arith.constant 0 : index
    %get3A_9 = vector.load %arg2[%get3A_7, %get3A_8] : memref<512x128xf32, #tpu.memory_space<vmem>>, vector<512x128xf32>
    %convert_element_type3A_10 = arith.truncf %get3A_9 : vector<512x128xf32> to vector<512x128xbf16>
    %get3A_11 = arith.constant 0 : index
    %get3A_12 = arith.constant 0 : index
    %get3A_13 = vector.load %arg6[%get3A_11, %get3A_12] : memref<128x768xf32, #tpu.memory_space<vmem>>, vector<128x768xf32>
    %convert_element_type3A_14 = arith.truncf %get3A_13 : vector<128x768xf32> to vector<128x768xbf16>
    %dot_general3A_15 = arith.constant dense<0.000000e+00> : vector<512x768xf32>
    %dot_general3A_16 = tpu.matmul %convert_element_type3A_10, %convert_element_type3A_14, %dot_general3A_15 {dimension_numbers = #tpu.dot_dimension_numbers<[1], [0], [0], [1], [0, 0, 1, 1], [], []>, transpose_lhs_hint = false} : vector<512x128xbf16>, vector<128x768xbf16>, vector<512x768xf32> -> vector<512x768xf32>
    %add3A = arith.addf %dot_general3A_6, %dot_general3A_16 : vector<512x768xf32>
    %get3A_17 = arith.constant 0 : index
    %get3A_18 = arith.constant 0 : index
    %get3A_19 = vector.load %arg3[%get3A_17, %get3A_18] : memref<512x640xf32, #tpu.memory_space<vmem>>, vector<512x640xf32>
    %convert_element_type3A_20 = arith.truncf %get3A_19 : vector<512x640xf32> to vector<512x640xbf16>
    %get3A_21 = arith.constant 0 : index
    %get3A_22 = arith.constant 0 : index
    %get3A_23 = vector.load %arg7[%get3A_21, %get3A_22] : memref<640x768xf32, #tpu.memory_space<vmem>>, vector<640x768xf32>
    %convert_element_type3A_24 = arith.truncf %get3A_23 : vector<640x768xf32> to vector<640x768xbf16>
    %dot_general3A_25 = arith.constant dense<0.000000e+00> : vector<512x768xf32>
    %dot_general3A_26 = tpu.matmul %convert_element_type3A_20, %convert_element_type3A_24, %dot_general3A_25 {dimension_numbers = #tpu.dot_dimension_numbers<[1], [0], [0], [1], [0, 0, 1, 1], [], []>, transpose_lhs_hint = false} : vector<512x640xbf16>, vector<640x768xbf16>, vector<512x768xf32> -> vector<512x768xf32>
    %add3A_27 = arith.addf %add3A, %dot_general3A_26 : vector<512x768xf32>
    %get3A_28 = arith.constant 0 : index
    %get3A_29 = arith.constant 0 : index
    %get3A_30 = vector.load %arg4[%get3A_28, %get3A_29] : memref<512x128xf32, #tpu.memory_space<vmem>>, vector<512x128xf32>
    %convert_element_type3A_31 = arith.truncf %get3A_30 : vector<512x128xf32> to vector<512x128xbf16>
    %get3A_32 = arith.constant 0 : index
    %get3A_33 = arith.constant 0 : index
    %get3A_34 = vector.load %arg8[%get3A_32, %get3A_33] : memref<128x768xf32, #tpu.memory_space<vmem>>, vector<128x768xf32>
    %convert_element_type3A_35 = arith.truncf %get3A_34 : vector<128x768xf32> to vector<128x768xbf16>
    %dot_general3A_36 = arith.constant dense<0.000000e+00> : vector<512x768xf32>
    %dot_general3A_37 = tpu.matmul %convert_element_type3A_31, %convert_element_type3A_35, %dot_general3A_36 {dimension_numbers = #tpu.dot_dimension_numbers<[1], [0], [0], [1], [0, 0, 1, 1], [], []>, transpose_lhs_hint = false} : vector<512x128xbf16>, vector<128x768xbf16>, vector<512x768xf32> -> vector<512x768xf32>
    %add3A_38 = arith.addf %add3A_27, %dot_general3A_37 : vector<512x768xf32>
    %get3A_39 = arith.constant 0 : index
    %get3A_40 = arith.constant 0 : index
    %get3A_41 = vector.load %arg9[%get3A_39, %get3A_40] : memref<1x768xf32, #tpu.memory_space<vmem>>, vector<1x768xf32>
    %add3A_42 = vector.broadcast %get3A_41 : vector<1x768xf32> to vector<512x768xf32>
    %add3A_43 = arith.addf %add3A_38, %add3A_42 : vector<512x768xf32>
    %get3A_44 = arith.constant 0 : index
    %get3A_45 = arith.constant 0 : index
    %get3A_46 = vector.load %arg10[%get3A_44, %get3A_45] : memref<512x768xf32, #tpu.memory_space<vmem>>, vector<512x768xf32>
    %add3A_47 = arith.addf %add3A_43, %get3A_46 : vector<512x768xf32>
    %reduce_sum3A = arith.constant dense<0.000000e+00> : vector<512xf32>
    %reduce_sum3A_48 = vector.multi_reduction <add>, %add3A_47, %reduce_sum3A [1] : vector<512x768xf32> to vector<512xf32>
    %broadcast_in_dim3A = vector.shape_cast %reduce_sum3A_48 : vector<512xf32> to vector<512x1xf32>
    %div3A = arith.constant 7.680000e+02 : f32
    %div3A_49 = vector.broadcast %div3A : f32 to vector<512x1xf32>
    %div3A_50 = arith.divf %broadcast_in_dim3A, %div3A_49 : vector<512x1xf32>
    %sub3A = vector.broadcast %div3A_50 : vector<512x1xf32> to vector<512x768xf32>
    %sub3A_51 = arith.subf %add3A_47, %sub3A : vector<512x768xf32>
    %mul3A = arith.mulf %sub3A_51, %sub3A_51 : vector<512x768xf32>
    %reduce_sum3A_52 = arith.constant dense<0.000000e+00> : vector<512xf32>
    %reduce_sum3A_53 = vector.multi_reduction <add>, %mul3A, %reduce_sum3A_52 [1] : vector<512x768xf32> to vector<512xf32>
    %broadcast_in_dim3A_54 = vector.shape_cast %reduce_sum3A_53 : vector<512xf32> to vector<512x1xf32>
    %div3A_55 = arith.constant 7.680000e+02 : f32
    %div3A_56 = vector.broadcast %div3A_55 : f32 to vector<512x1xf32>
    %div3A_57 = arith.divf %broadcast_in_dim3A_54, %div3A_56 : vector<512x1xf32>
    %add3A_58 = arith.constant 9.99999996E-13 : f32
    %add3A_59 = vector.broadcast %add3A_58 : f32 to vector<512x1xf32>
    %add3A_60 = arith.addf %div3A_57, %add3A_59 : vector<512x1xf32>
    %rsqrt3A = math.rsqrt %add3A_60 : vector<512x1xf32>
    %mul3A_61 = vector.broadcast %rsqrt3A : vector<512x1xf32> to vector<512x768xf32>
    %mul3A_62 = arith.mulf %sub3A_51, %mul3A_61 : vector<512x768xf32>
    %get3A_63 = arith.constant 0 : index
    %get3A_64 = arith.constant 0 : index
    %get3A_65 = vector.load %arg11[%get3A_63, %get3A_64] : memref<1x768xf32, #tpu.memory_space<vmem>>, vector<1x768xf32>
    %mul3A_66 = vector.broadcast %get3A_65 : vector<1x768xf32> to vector<512x768xf32>
    %mul3A_67 = arith.mulf %mul3A_62, %mul3A_66 : vector<512x768xf32>
    %get3A_68 = arith.constant 0 : index
    %get3A_69 = arith.constant 0 : index
    %get3A_70 = vector.load %arg12[%get3A_68, %get3A_69] : memref<1x768xf32, #tpu.memory_space<vmem>>, vector<1x768xf32>
    %add3A_71 = vector.broadcast %get3A_70 : vector<1x768xf32> to vector<512x768xf32>
    %add3A_72 = arith.addf %mul3A_67, %add3A_71 : vector<512x768xf32>
    %swap3A = arith.constant 0 : index
    %swap3A_73 = arith.constant 0 : index
    %swap3A_74 = vector.load %arg13[%swap3A, %swap3A_73] : memref<512x768xf32, #tpu.memory_space<vmem>>, vector<512x768xf32>
    tpu.vector_store %arg13[%swap3A, %swap3A_73], %add3A_72 {strides = array<i32>} : memref<512x768xf32, #tpu.memory_space<vmem>>, vector<512x768xf32>,
    return
  }
  func.func @transform_0(%arg0: i32) -> (i32, i32) {
    %c0_i32 = arith.constant 0 : i32
    %c0_i32_0 = arith.constant 0 : i32
    return %arg0, %c0_i32 : i32, i32
  }
  func.func @transform_1(%arg0: i32) -> (i32, i32) {
    %c0_i32 = arith.constant 0 : i32
    %c0_i32_0 = arith.constant 0 : i32
    return %arg0, %c0_i32 : i32, i32
  }
  func.func @transform_2(%arg0: i32) -> (i32, i32) {
    %c0_i32 = arith.constant 0 : i32
    %c0_i32_0 = arith.constant 0 : i32
    return %arg0, %c0_i32 : i32, i32
  }
  func.func @transform_3(%arg0: i32) -> (i32, i32) {
    %c0_i32 = arith.constant 0 : i32
    %c0_i32_0 = arith.constant 0 : i32
    return %arg0, %c0_i32 : i32, i32
  }
  func.func @transform_4(%arg0: i32) -> (i32, i32) {
    %c0_i32 = arith.constant 0 : i32
    %c0_i32_0 = arith.constant 0 : i32
    %c0_i32_1 = arith.constant 0 : i32
    return %c0_i32, %c0_i32_0 : i32, i32
  }
  func.func @transform_5(%arg0: i32) -> (i32, i32) {
    %c0_i32 = arith.constant 0 : i32
    %c0_i32_0 = arith.constant 0 : i32
    %c0_i32_1 = arith.constant 0 : i32
    return %c0_i32, %c0_i32_0 : i32, i32
  }
  func.func @transform_6(%arg0: i32) -> (i32, i32) {
    %c0_i32 = arith.constant 0 : i32
    %c0_i32_0 = arith.constant 0 : i32
    %c0_i32_1 = arith.constant 0 : i32
    return %c0_i32, %c0_i32_0 : i32, i32
  }
  func.func @transform_7(%arg0: i32) -> (i32, i32) {
    %c0_i32 = arith.constant 0 : i32
    %c0_i32_0 = arith.constant 0 : i32
    %c0_i32_1 = arith.constant 0 : i32
    return %c0_i32, %c0_i32_0 : i32, i32
  }
  func.func @transform_8(%arg0: i32) -> (i32, i32) {
    %c0_i32 = arith.constant 0 : i32
    %c0_i32_0 = arith.constant 0 : i32
    %c0_i32_1 = arith.constant 0 : i32
    return %c0_i32, %c0_i32_0 : i32, i32
  }
  func.func @transform_9(%arg0: i32) -> (i32, i32) {
    %c0_i32 = arith.constant 0 : i32
    %c0_i32_0 = arith.constant 0 : i32
    %c0_i32_1 = arith.constant 0 : i32
    return %c0_i32, %c0_i32_0 : i32, i32
  }
  func.func @transform_10(%arg0: i32) -> (i32, i32) {
    %c0_i32 = arith.constant 0 : i32
    %c0_i32_0 = arith.constant 0 : i32
    %c0_i32_1 = arith.constant 0 : i32
    return %c0_i32, %c0_i32_0 : i32, i32
  }
  func.func @transform_11(%arg0: i32) -> (i32, i32) {
    %c0_i32 = arith.constant 0 : i32
    %c0_i32_0 = arith.constant 0 : i32
    %c0_i32_1 = arith.constant 0 : i32
    return %c0_i32, %c0_i32_0 : i32, i32
  }
  func.func @transform_12(%arg0: i32) -> (i32, i32) {
    %c0_i32 = arith.constant 0 : i32
    %c0_i32_0 = arith.constant 0 : i32
    return %arg0, %c0_i32 : i32, i32
  }
}

</mosaic_0001>

<sc_bundles>
// kernel: kernel.4.cloned.1.call-start
scs
__scs_entry_jumppad:
0x0: {  	(pc) =	sbr.rel $0x88, $3  }
0x1: {  	(tag) =	ssettag $0x0;
	lr =	simm.s32 $0x1  }
0x2: {  	[smem:$0x3F95] =	sst lr;
	_ =	strace $0xD0000000  }
0x3: {  	_ = 	snop  }
0x4: {  	_ = 	snop  }
0x5: {  	_ = 	snop  }
0x6: {  	_ = 	snop  }
0x7: {  	_ = 	snop  }
__scs_overlays_trampoline_lowered:
0x8: {  	[smem:$0x3FA4] =	sst s0  }
0x9: {  	[smem:$0x3FA5] =	sst s1  }
0xa: {  	[smem:$0x3FA6] =	sst s2  }
0xb: {  	[smem:$0x3FA7] =	sst s3  }
0xc: {  	[smem:$0x3FA8] =	sst s4  }
0xd: {  	[smem:$0x3FA9] =	sst s5  }
0xe: {  	[smem:$0x3FAA] =	sst s6  }
0xf: {  	[smem:$0x3FAB] =	sst s7  }
0x10: {  	[smem:$0x3FAC] =	sst s8  }
0x11: {  	[smem:$0x3FAD] =	sst s9;
	s0 =	simm.s32 @!p0 $0x0  }
0x12: {  	s1 =	sld [smem:$0x3F93];
	s0 =	simm.s32 @p0 $0x1  }
0x13: {  	[smem:$0x3FAE] =	sst s0;
	s0 =	simm.s32 @!p1 $0x0  }
0x14: {  	s2 =	sld [smem:$0x3F92];
	s0 =	simm.s32 @p1 $0x1  }
0x15: {  	[smem:$0x3FAF] =	sst s0;
	s0 =	simm.s32 @!p2 $0x0  }
0x16: {  	s3 =	sld [smem:$0x3FDB];
	s0 =	simm.s32 @p2 $0x1  }
0x17: {  	s4 =	simm.s32 $0x1BF5;
	[smem:$0x3FB1] =	sst s0  }
0x18: {  	s0 =	sld [smem:$0x3F94];
	_ =	swait.ge [sflag:s4], $0x0  }
0x19: {  	s7 =	sld [smem:$0x3F95]  }
0x1a: {  	s8 =	sadd.s32 $0xFFFFE003, lr  }
0x1b: {  	s9 =	sadd.s32 $0xFFFFFEF7, lr;
	s5 =	simm.s32 $0xFFFFFFFF;
	p2 =	slt.u32 s8, $0xFFFFF086  }
0x1c: {  	p1 =	slt.u32 s9, $0xF7A;
	s5 =	simm.s32 @!p2 $0x0  }
0x1d: {  	s5 =	simm.s32 @p1 $0x1;
	p0 =	seq.s32 s7, s2  }
0x1e: {  	s7 =	smul.u32 @!p0 $0xF7A, s2;
	p2 =	seq.s32 @!p0 s5, $0x0  }
0x1f: {  	s9 =	smul.u32 $0xF7A, s1;
	s8 =	simm.s32 @!p0 $0x1BF5;
	p2 =	por !p2, p0  }
0x20: {  	[sflag:s8] =	ssyncset.s32 @!p0 $0xFFFFF086;
	s6 =	sadd.s32 @!p0 s3, s7;
	s7 =	simm.s32 @!p0 $0x108  }
0x21: {  	s3 =	sadd.s32 s3, s9;
	s6 =	sadd.s32 @!p0 $0x88, s6;
	s7 =	simm.s32 @p2 $0x1082  }
0x22: {  	[simem:s7], [sflag:s8] =	dma.local @!p0 [hbm:s6], $0xF7A  }
0x23: {  	s9 =	sor.u32 $0xD0000000, s2;
	s6 =	simm.s32 $0x108;
	_ =	swait.ge @!p0 [sflag:s8], $0x0  }
0x24: {  	s3 =	sadd.s32 $0x88, s3;
	s6 =	simm.s32 @!p1 $0x1082;
	[sflag:s4] =	ssyncset.s32 $0xFFFFF086  }
0x25: {  	[simem:s6], [sflag:s4] =	dma.local [hbm:s3], $0xF7A  }
0x26: {  	[smem:$0x3F95] =	sst s1;
	(tag) =	ssettag s2;
	_ =	strace s9  }
0x27: {  	s1 =	sld [smem:$0x3FA5]  }
0x28: {  	s2 =	sld [smem:$0x3FA6]  }
0x29: {  	s4 =	sld [smem:$0x3FA8]  }
0x2a: {  	p0 =	seq.s32 s5, $0x0;
	s5 =	sld [smem:$0x3FA9]  }
0x2b: {  	s6 =	sld [smem:$0x3FAA]  }
0x2c: {  	s7 =	sld [smem:$0x3FAB]  }
0x2d: {  	s3 =	simm.s32 $0x108;
	s8 =	sld [smem:$0x3FAC]  }
0x2e: {  	s3 =	simm.s32 @!p0 $0x1082;
	s9 =	sld [smem:$0x3FAD]  }
0x2f: {  	lr =	sadd.s32 s0, s3;
	s0 =	sld [smem:$0x3FA4]  }
0x30: {  	s3 =	sld [smem:$0x3FA7]  }
0x31: {  	[smem:$0x3FB0] =	sst s10  }
0x32: {  	s10 =	sld [smem:$0x3FAE];
	_ =	sdelay $0x3  }
0x33: {  	p0 =	seq.s32 s10, $0x1;
	s10 =	sld [smem:$0x3FB0];
	_ =	sdelay $0x3  }
0x34: {  	[smem:$0x3FB0] =	sst s10  }
0x35: {  	s10 =	sld [smem:$0x3FAF];
	_ =	sdelay $0x3  }
0x36: {  	p1 =	seq.s32 s10, $0x1;
	s10 =	sld [smem:$0x3FB0];
	_ =	sdelay $0x3  }
0x37: {  	[smem:$0x3FB0] =	sst s10  }
0x38: {  	s10 =	sld [smem:$0x3FB1]  }
0x39: {  	_ = 	snop;
	(pc) =	sbr.ind lr, $3  }
0x3a: {  	_ = 	snop  }
0x3b: {  	_ = 	snop  }
0x3c: {  	p2 =	seq.s32 s10, $0x1;
	s10 =	sld [smem:$0x3FB0]  }
0x3d: {  	_ =	shalt  }
0x3e: {  	_ =	shalt  }
0x3f: {  	_ =	shalt  }
0x40: {  	_ =	shalt  }
0x41: {  	_ =	shalt  }
0x42: {  	_ =	shalt  }
0x43: {  	_ =	shalt  }
0x44: {  	_ =	shalt  }
0x45: {  	_ =	shalt  }
0x46: {  	_ =	shalt  }
0x47: {  	_ =	shalt  }
0x48: {  	_ =	shalt  }
0x49: {  	_ =	shalt  }
0x4a: {  	_ =	shalt  }
0x4b: {  	_ =	shalt  }
0x4c: {  	_ =	shalt  }
0x4d: {  	_ =	shalt  }
0x4e: {  	_ =	shalt  }
0x4f: {  	_ =	shalt  }
0x50: {  	_ =	shalt  }
0x51: {  	_ =	shalt  }
0x52: {  	_ =	shalt  }
0x53: {  	_ =	shalt  }
0x54: {  	_ =	shalt  }
0x55: {  	_ =	shalt  }
0x56: {  	_ =	shalt  }
0x57: {  	_ =	shalt  }
0x58: {  	_ =	shalt  }
0x59: {  	_ =	shalt  }
0x5a: {  	_ =	shalt  }
0x5b: {  	_ =	shalt  }
0x5c: {  	_ =	shalt  }
0x5d: {  	_ =	shalt  }
0x5e: {  	_ =	shalt  }
0x5f: {  	_ =	shalt  }
0x60: {  	_ =	shalt  }
0x61: {  	_ =	shalt  }
0x62: {  	_ =	shalt  }
0x63: {  	_ =	shalt  }
0x64: {  	_ =	shalt  }
0x65: {  	_ =	shalt  }
0x66: {  	_ =	shalt  }
0x67: {  	_ =	shalt  }
0x68: {  	_ =	shalt  }
0x69: {  	_ =	shalt  }
0x6a: {  	_ =	shalt  }
0x6b: {  	_ =	shalt  }
0x6c: {  	_ =	shalt  }
0x6d: {  	_ =	shalt  }
0x6e: {  	_ =	shalt  }
0x6f: {  	_ =	shalt  }
0x70: {  	_ =	shalt  }
0x71: {  	_ =	shalt  }
0x72: {  	_ =	shalt  }
0x73: {  	_ =	shalt  }
0x74: {  	_ =	shalt  }
0x75: {  	_ =	shalt  }
0x76: {  	_ =	shalt  }
0x77: {  	_ =	shalt  }
0x78: {  	_ =	shalt  }
0x79: {  	_ =	shalt  }
0x7a: {  	_ =	shalt  }
0x7b: {  	_ =	shalt  }
0x7c: {  	_ =	shalt  }
0x7d: {  	_ =	shalt  }
0x7e: {  	_ =	shalt  }
0x7f: {  	_ =	shalt  }
0x80: {  	_ =	shalt  }
0x81: {  	_ =	shalt  }
0x82: {  	_ =	shalt  }
0x83: {  	_ =	shalt  }
0x84: {  	_ =	shalt  }
0x85: {  	_ =	shalt  }
0x86: {  	_ =	shalt  }
0x87: {  	_ =	shalt  }
.Lfunc_end0:
.L_simem_size_0:
called_computation_lowered:
.L_overlay_start_0:
0x88: {  	s2 =	sld [smem:$0x3FD9]  }
0x89: {  	s3 =	sld [smem:$0x3FFE];
	_ =	sdelay $0x1  }
0x8a: {  	s1 =	srdreg.scid  }
0x8b: {  	s0 =	sand.u32 $0x1, s1  }
0x8c: {  	s17 =	sshll.u32 s0, $0xA;
	s2 =	sadd.s32 s3, s2  }
0x8d: {  	s2 =	sadd.s32 s2, s17  }
0x8e: {  	[smem:$0x3FBC] =	sst s2  }
0x8f: {  	_ = 	snop  }
0x90: {  	s2 =	sld [smem:$0x3FC5];
	(tm) =	ssettm $0x1  }
0x91: {  	s18 =	sld [smem:$0x3FFB];
	_ =	sdelay $0x3  }
0x92: {  	_ =	strace s18  }
0x93: {  	s3 =	sld [smem:$0x3FFC];
	_ =	sdelay $0x3  }
0x94: {  	_ =	strace s3  }
0x95: {  	s3 =	sld [smem:$0x3FFD];
	_ =	sdelay $0x3  }
0x96: {  	_ =	strace s3  }
0x97: {  	_ =	strace $0x8FFFFFFF  }
0x98: {  	s19 =	sld [smem:$0x3FDB];
	_ =	sdelay $0x1  }
0x99: {  	s4 =	simm.s32 $_scs_section_size  }
0x9a: {  	s5 =	simm.s32 $_size__tile_overlayer_lowered;
	s6 =	simm.s32 $_tile_overlayer_lowered  }
0x9b: {  	s22 =	simm.s32 $0x1BFF;
	s21 =	sshll.u32 s6, $0x1;
	s3 =	sadd.s32 s4, s19  }
0x9c: {  	s7 =	simm.s32 $0x0;
	s20 =	sshll.u32 s5, $0x1;
	s5 =	sadd.s32 s21, s3  }
0x9d: {  	[timem:s7], [sflag:s22] =	dma.local [hbm:s5], s20  }
0x9e: {  	_ =	swait.ge [sflag:s22], s20  }
0x9f: {  	s4 =	ssub.s32 $0x0, s20;
	[sflag:s22] =	ssyncset.done $0x0  }
0xa0: {  	[sflag:s22] =	ssyncadd.s32 s4;
	_ =	sdelay $0x1  }
0xa1: {  	s23 =	simm.s32 $0x1B8B  }
0xa2: {  	_ =	swait.ge [sflag:s23], $0x1  }
0xa3: {  	[sflag:s23] =	ssyncset.done $0x0  }
0xa4: {  	s25 =	simm.s32 $0x1B8E;
	s24 =	sld [smem:$0x3FFE];
	[sflag:s23] =	ssyncadd.s32 $0xFFFFFFFF  }
0xa5: {  	s26 =	simm.s32 $execute0_lowered;
	[smem:$0x3FD2] =	sst s25  }
0xa6: {  	s5 =	sshll.u32 s26, $0x1;
	_ =	strace $0x80000046;
	[dreg:$0x1] =	wrdreg $0xFFFFFFFF  }
0xa7: {  	s28 =	simm.s32 $_size_execute0_lowered;
	s3 =	sadd.s32 s3, s5;
	[dreg:$0x0] =	wrdreg $0x0  }
0xa8: {  	s5 =	sshll.u32 s28, $0x1;
	[dreg:$0x2] =	wrdreg s3  }
0xa9: {  	[dreg:$0x3] =	wrdreg s5  }
0xaa: {  	[dreg:$0x4] =	wrdreg $0xC0  }
0xab: {  	_ =	task [dreg:s7], $0x5FFFF  }
0xac: {  	[dreg:$0x1] =	wrdreg $0xFFFFFFFF  }
0xad: {  	[dreg:$0x0] =	wrdreg $0x60  }
0xae: {  	[dreg:$0x2] =	wrdreg s24  }
0xaf: {  	[dreg:$0x3] =	wrdreg s2  }
0xb0: {  	[dreg:$0x4] =	wrdreg $0x9  }
0xb1: {  	_ =	task.clear_ibuf [dreg:s7], $0x5FFFF;
	_ =	strace $0x90000046  }
0xb2: {  	s29 =	simm.s32 $0x9;
	_ =	strace $0x80000048  }
0xb3: {  	_ =	swait.ge [sflag:s29], $0x1  }
0xb4: {  	[sflag:s29] =	ssyncadd.s32 $0xFFFFFFFF  }
0xb5: {  	_ =	strace $0x90000048  }
0xb6: {  	_ =	sfence  }
0xb7: {  	s30 =	sld [smem:$0x0];
	_ =	sdelay $0x2  }
0xb8: {  	s31 =	sshll.u32 s1, $0xD;
	s1 =	sshrl.u32 s1, $0x2  }
0xb9: {  	s3 =	sand.u32 $0x4000, s31;
	s1 =	sadd.s32 s1, s30  }
0xba: {  	s0 =	sor.u32 s3, s0;
	s1 =	sshll.u32 s1, $0x11  }
0xbb: {  	s0 =	sor.u32 s1, s0  }
0xbc: {  	s0 =	sadd.s32 $0x8F2B, s0  }
0xbd: {  	[sflag:s0] =	ssyncadd.remote.s32 $0x1  }
0xbe: {  	_ =	sfence.sel $0xFFFF  }
0xbf: {  	[dreg:$0x0] =	wrdreg $0xFFFFFFFF;
	(pc) =	sbr.abs _section_cstart, $3  }
0xc0: {  	[dreg:$0x1] =	wrdreg $0xFFFFFFFF  }
0xc1: {  	_ =	task.clear_ibuf [dreg:s7], $0x2FFFF;
	_ =	strace $0x9FFFFFFF  }
0xc2: {  	(tm) =	ssettm $0x7FFFFFFF  }
0xc3: {  	_ =	shalt  }
tec
execute0_lowered:
.L_overlay_start_1:
0x0: {  	(tag) =	ssettag $0x1  }
0x1: {  	s1 =	rddreg [dreg:$0x0]  }
0x2: {  	s2 =	srdreg.scid;
	s3 =	rddreg [dreg:$0x1]  }
0x3: {  	s7 =	sand.u32 $0x1, s2;
	[dreg:$0x3] =	wrdreg s3;
	s2 =	simm.s32 $0x0  }
0x4: {  	s9 =	sadd.s32 $0x5000, s1;
	[smem:$0x7FF] =	sst s2  }
0x5: {  	s16 =	simm.s32 $0x80;
	_ =	strace $0x80000047;
	[dreg:$0x4] =	wrdreg s9  }
0x6: {  	s17 =	simm.s32 $0x2980;
	[dreg:$0x8] =	wrdreg s16  }
0x7: {  	s0 =	stileid.u32;
	s18 =	simm.s32 $0x3580;
	[dreg:$0x9] =	wrdreg s17  }
0x8: {  	s20 =	simm.s32 $0x3D80;
	s21 =	simm.s32 $0x4580;
	[dreg:$0xb] =	wrdreg s18  }
0x9: {  	s22 =	simm.s32 $0x4980;
	s23 =	simm.s32 $0x5180;
	[dreg:$0xc] =	wrdreg s20  }
0xa: {  	s24 =	simm.s32 $0x5980;
	s25 =	simm.s32 $0x5D80;
	[dreg:$0xd] =	wrdreg s21  }
0xb: {  	s26 =	simm.s32 $0x6580;
	s29 =	simm.s32 $0x6D80;
	[dreg:$0xe] =	wrdreg s22  }
0xc: {  	s30 =	simm.s32 $0x7180;
	s31 =	simm.s32 $0x7980;
	[dreg:$0xf] =	wrdreg s23  }
0xd: {  	s28 =	simm.s32 $0x0;
	s8 =	sshll.u32 s0, $0xB;
	[dreg:$0x10] =	wrdreg s24  }
0xe: {  	s10 =	sshll.u32 s0, $0xF;
	s4 =	sshll.u32 s7, $0xA;
	[dreg:$0x11] =	wrdreg s25  }
0xf: {  	s13 =	ssub.s32 $0x2, s7;
	s7 =	sshll.u32 s7, $0xE;
	[dreg:$0x12] =	wrdreg s26  }
0x10: {  	s3 =	sor.u32 s4, s8;
	s8 =	sadd.s32 s10, s1;
	[dreg:$0x13] =	wrdreg s29  }
0x11: {  	s15 =	sshrl.u32 s13, $0x1;
	s4 =	sadd.s32 $0x5500, s1;
	[dreg:$0x14] =	wrdreg s30  }
0x12: {  	s10 =	simm.s32 $0x3180;
	[dreg:$0x15] =	wrdreg s31;
	s16 =	simm.s32 $0x8580  }
0x13: {  	s17 =	simm.s32 $0x8D80;
	s18 =	simm.s32 $0x9580;
	s20 =	simm.s32 $0xA180  }
0x14: {  	s21 =	simm.s32 $0xA980;
	s22 =	simm.s32 $0xAD80;
	s23 =	simm.s32 $0xB580  }
0x15: {  	s24 =	simm.s32 $0xBD80;
	s25 =	simm.s32 $0xC180;
	s26 =	simm.s32 $0x1  }
0x16: {  	s3 =	sshrl.u32 s3, $0x3;
	[dreg:$0xa] =	wrdreg s10;
	s8 =	sadd.s32 s7, s8  }
0x17: {  	s5 =	smul.u32 $0x280, s3;
	s6 =	sadd.s32 s3, s1;
	s3 =	sadd.s32 $0x5400, s1  }
0x18: {  	s10 =	simm.s32 $0x2;
	s7 =	sadd.s32 $0x1CB400, s8;
	s8 =	sadd.s32 $0x4CB400, s8  }
0x19: {  	s11 =	sadd.s32 $0x4000, s6;
	s12 =	sadd.s32 $0x3000, s6;
	s14 =	sadd.s32 $0x2000, s6  }
0x1a: {  	s6 =	ssub.s32 s13, s15;
	s13 =	simm.s32 $0x180;
	[dreg:$0x5] =	wrdreg s11  }
0x1b: {  	s15 =	simm.s32 $0x8180;
	s9 =	sadd.s32 s5, s1;
	[dreg:$0x6] =	wrdreg s12  }
0x1c: {  	v2 =	vlaneseq.u32;
	[dreg:$0x7] =	wrdreg s14;
	s5 =	sadd.s32 $0x5600, s1;
	s19 =	smax.u32 s6, $0x1  }
0x1d: {  	vm0 =	vmmov $0xffff;
	vm1 =	vmmov $0xff;
	v1 =	vshrl.u32 v2, $0x3;
	s11 =	simm.s32 $0x100;
	s12 =	simm.s32 $0x40;
	s14 =	simm.s32 $0x2180  }
0x1e: {  	v0 =	vand.u32 $0x7, v2;
	v2 =	vor.u32 $0x8, v2;
	v1 =	vmul.u32 $0x8, v1;
	[dreg:$0x16] =	wrdreg s19;
	s9 =	sadd.s32 $0x24B400, s9;
	s19 =	simm.s32 $0x9980  }
.LBB2_1:
0x1f: {  	s29 =	smov.u32 s9  }
0x20: {  	s30 =	smov.u32 s8;
	s31 =	smov.u32 s7;
	s1 =	simm.s32 $0x0  }
.LBB2_2:
0x21: {  	s0 =	rddreg [dreg:$0x7]  }
0x22: {  	s0 =	sadd.s32 s1, s0  }
0x23: {  	[tilespmem:s2], [sflag:$0x2] =	stream.linear.gather [hbm4b:s0+s2], $0x40, $0x38;
	[tilespmem:$0xE180] =	vst v63  }
0x24: {  	_ =	swait.ge [sflag:s10], $0x40  }
0x25: {  	s0 =	rddreg [dreg:$0x6];
	[sflag:s10] =	ssyncset.done $0x0  }
0x26: {  	s6 =	rddreg [dreg:$0x8];
	[sflag:s10] =	ssyncadd.s32 $0xFFFFFFC0;
	s0 =	sadd.s32 s1, s0  }
0x27: {  	[tilespmem:s6], [sflag:$0x2] =	stream.linear.gather [hbm4b:s0+s2], $0x40, $0x38;
	[tilespmem:$0xE180] =	vst v63  }
0x28: {  	_ =	swait.ge [sflag:s10], $0x40  }
0x29: {  	s6 =	rddreg [dreg:$0x5];
	[sflag:s10] =	ssyncset.done $0x0  }
0x2a: {  	[sflag:s10] =	ssyncadd.s32 $0xFFFFFFC0;
	s0 =	sadd.s32 s1, s6  }
0x2b: {  	[tilespmem:s11], [sflag:$0x2] =	stream.linear.gather [hbm4b:s0+s2], $0x40, $0x38;
	[tilespmem:$0xE180] =	vst v63  }
0x2c: {  	_ =	swait.ge [sflag:s10], $0x40  }
0x2d: {  	[sflag:s10] =	ssyncset.done $0x0  }
0x2e: {  	s6 =	rddreg [dreg:$0x3];
	[sflag:s10] =	ssyncadd.s32 $0xFFFFFFC0  }
0x2f: {  	[tilespmem:s13], [sflag:$0x1] =	stream.indirect.gather [hbm4b:s6+s12], $0x80, s2, s12, $0xb8;
	[tilespmem:$0xE180] =	vst v63  }
0x30: {  	v3 =	vld [tilespmem:$0x80];
	_ =	sdelay $0x4  }
0x31: {  	v4 =	vshrl.u32 v3, $0x3  }
0x32: {  	v4 =	vmul.u32 $0x28, v4  }
0x33: {  	v3 =	vand.u32 $0x7, v3  }
0x34: {  	v3 =	vor.u32 v3, v4  }
0x35: {  	v4 =	vperm.xlane v3, v0;
	_ =	sdelay $0x1  }
0x36: {  	v4 =	vadd.s32 v1, v4;
	_ =	sdelay $0x3  }
0x37: {  	v3 =	vperm.xlane v3, v2  }
0x38: {  	[tilespmem:s14], [sflag:$0x1] =	stream.indirect_vreg.gather [hbm4b:s3+s2], $0x80, v4, vm0, $0xb8;
	[tilespmem:$0xE180] =	vst v63  }
0x39: {  	s0 =	rddreg [dreg:$0x9];
	v3 =	vadd.s32 v1, v3  }
0x3a: {  	[tilespmem:s0], [sflag:$0x1] =	stream.indirect_vreg.gather [hbm4b:s4+s2], $0x80, v4, vm0, $0xb8;
	[tilespmem:$0xE180] =	vst v63  }
0x3b: {  	s6 =	rddreg [dreg:$0xa]  }
0x3c: {  	[tilespmem:s6], [sflag:$0x1] =	stream.indirect_vreg.gather [hbm4b:s5+s2], $0x80, v4, vm1, $0xb8;
	[tilespmem:$0xE180] =	vst v63  }
0x3d: {  	s0 =	rddreg [dreg:$0xb]  }
0x3e: {  	[tilespmem:s0], [sflag:$0x1] =	stream.indirect_vreg.gather [hbm4b:s3+s2], $0x80, v3, vm0, $0xb8;
	[tilespmem:$0xE180] =	vst v63  }
0x3f: {  	s6 =	rddreg [dreg:$0xc]  }
0x40: {  	[tilespmem:s6], [sflag:$0x1] =	stream.indirect_vreg.gather [hbm4b:s4+s2], $0x80, v3, vm0, $0xb8;
	[tilespmem:$0xE180] =	vst v63  }
0x41: {  	s0 =	rddreg [dreg:$0xd]  }
0x42: {  	[tilespmem:s0], [sflag:$0x1] =	stream.indirect_vreg.gather [hbm4b:s5+s2], $0x80, v3, vm1, $0xb8;
	[tilespmem:$0xE180] =	vst v63  }
0x43: {  	v3 =	vld [tilespmem:$0x90];
	_ =	sdelay $0x4  }
0x44: {  	v61 =	vshrl.u32 v3, $0x3  }
0x45: {  	v4 =	vmul.u32 $0x28, v61  }
0x46: {  	v3 =	vand.u32 $0x7, v3  }
0x47: {  	v3 =	vor.u32 v3, v4  }
0x48: {  	v4 =	vperm.xlane v3, v0;
	_ =	sdelay $0x1  }
0x49: {  	v4 =	vadd.s32 v1, v4;
	_ =	sdelay $0x3  }
0x4a: {  	s0 =	rddreg [dreg:$0xe];
	v3 =	vperm.xlane v3, v2  }
0x4b: {  	[tilespmem:s0], [sflag:$0x1] =	stream.indirect_vreg.gather [hbm4b:s3+s2], $0x80, v4, vm0, $0xb8;
	[tilespmem:$0xE180] =	vst v63  }
0x4c: {  	s6 =	rddreg [dreg:$0xf];
	v3 =	vadd.s32 v1, v3  }
0x4d: {  	[tilespmem:s6], [sflag:$0x1] =	stream.indirect_vreg.gather [hbm4b:s4+s2], $0x80, v4, vm0, $0xb8;
	[tilespmem:$0xE180] =	vst v63  }
0x4e: {  	s0 =	rddreg [dreg:$0x10]  }
0x4f: {  	[tilespmem:s0], [sflag:$0x1] =	stream.indirect_vreg.gather [hbm4b:s5+s2], $0x80, v4, vm1, $0xb8;
	[tilespmem:$0xE180] =	vst v63  }
0x50: {  	s6 =	rddreg [dreg:$0x11]  }
0x51: {  	[tilespmem:s6], [sflag:$0x1] =	stream.indirect_vreg.gather [hbm4b:s3+s2], $0x80, v3, vm0, $0xb8;
	[tilespmem:$0xE180] =	vst v63  }
0x52: {  	s0 =	rddreg [dreg:$0x12]  }
0x53: {  	[tilespmem:s0], [sflag:$0x1] =	stream.indirect_vreg.gather [hbm4b:s4+s2], $0x80, v3, vm0, $0xb8;
	[tilespmem:$0xE180] =	vst v63  }
0x54: {  	s6 =	rddreg [dreg:$0x13]  }
0x55: {  	[tilespmem:s6], [sflag:$0x1] =	stream.indirect_vreg.gather [hbm4b:s5+s2], $0x80, v3, vm1, $0xb8;
	[tilespmem:$0xE180] =	vst v63  }
0x56: {  	v3 =	vld [tilespmem:$0xA0];
	_ =	sdelay $0x4  }
0x57: {  	v62 =	vshrl.u32 v3, $0x3  }
0x58: {  	v4 =	vmul.u32 $0x28, v62  }
0x59: {  	v3 =	vand.u32 $0x7, v3  }
0x5a: {  	v3 =	vor.u32 v3, v4  }
0x5b: {  	v4 =	vperm.xlane v3, v0;
	_ =	sdelay $0x1  }
0x5c: {  	v4 =	vadd.s32 v1, v4;
	_ =	sdelay $0x3  }
0x5d: {  	s0 =	rddreg [dreg:$0x14];
	v3 =	vperm.xlane v3, v2  }
0x5e: {  	[tilespmem:s0], [sflag:$0x1] =	stream.indirect_vreg.gather [hbm4b:s3+s2], $0x80, v4, vm0, $0xb8;
	[tilespmem:$0xE180] =	vst v63  }
0x5f: {  	s6 =	rddreg [dreg:$0x15];
	v3 =	vadd.s32 v1, v3  }
0x60: {  	[tilespmem:s6], [sflag:$0x1] =	stream.indirect_vreg.gather [hbm4b:s4+s2], $0x80, v4, vm0, $0xb8;
	[tilespmem:$0xE180] =	vst v63  }
0x61: {  	_ = 	snop  }
0x62: {  	[tilespmem:s15], [sflag:$0x1] =	stream.indirect_vreg.gather [hbm4b:s5+s2], $0x80, v4, vm1, $0xb8;
	[tilespmem:$0xE180] =	vst v63  }
0x63: {  	_ = 	snop  }
0x64: {  	[tilespmem:s16], [sflag:$0x1] =	stream.indirect_vreg.gather [hbm4b:s3+s2], $0x80, v3, vm0, $0xb8;
	[tilespmem:$0xE180] =	vst v63  }
0x65: {  	_ = 	snop  }
0x66: {  	[tilespmem:s17], [sflag:$0x1] =	stream.indirect_vreg.gather [hbm4b:s4+s2], $0x80, v3, vm0, $0xb8;
	[tilespmem:$0xE180] =	vst v63  }
0x67: {  	_ = 	snop  }
0x68: {  	[tilespmem:s18], [sflag:$0x1] =	stream.indirect_vreg.gather [hbm4b:s5+s2], $0x80, v3, vm1, $0xb8;
	[tilespmem:$0xE180] =	vst v63  }
0x69: {  	v3 =	vld [tilespmem:$0xB0];
	_ =	sdelay $0x4  }
0x6a: {  	v63 =	vshrl.u32 v3, $0x3  }
0x6b: {  	v4 =	vmul.u32 $0x28, v63  }
0x6c: {  	v3 =	vand.u32 $0x7, v3  }
0x6d: {  	v3 =	vor.u32 v3, v4  }
0x6e: {  	v4 =	vperm.xlane v3, v0;
	_ =	sdelay $0x1  }
0x6f: {  	v4 =	vadd.s32 v1, v4;
	_ =	sdelay $0x3  }
0x70: {  	v3 =	vperm.xlane v3, v2  }
0x71: {  	[tilespmem:s19], [sflag:$0x1] =	stream.indirect_vreg.gather [hbm4b:s3+s2], $0x80, v4, vm0, $0xb8;
	[tilespmem:$0xE180] =	vst v63  }
0x72: {  	v3 =	vadd.s32 v1, v3  }
0x73: {  	[tilespmem:s20], [sflag:$0x1] =	stream.indirect_vreg.gather [hbm4b:s4+s2], $0x80, v4, vm0, $0xb8;
	[tilespmem:$0xE180] =	vst v63  }
0x74: {  	_ = 	snop  }
0x75: {  	[tilespmem:s21], [sflag:$0x1] =	stream.indirect_vreg.gather [hbm4b:s5+s2], $0x80, v4, vm1, $0xb8;
	[tilespmem:$0xE180] =	vst v63  }
0x76: {  	_ = 	snop  }
0x77: {  	[tilespmem:s22], [sflag:$0x1] =	stream.indirect_vreg.gather [hbm4b:s3+s2], $0x80, v3, vm0, $0xb8;
	[tilespmem:$0xE180] =	vst v63  }
0x78: {  	_ = 	snop  }
0x79: {  	[tilespmem:s23], [sflag:$0x1] =	stream.indirect_vreg.gather [hbm4b:s4+s2], $0x80, v3, vm0, $0xb8;
	[tilespmem:$0xE180] =	vst v63  }
0x7a: {  	_ = 	snop  }
0x7b: {  	[tilespmem:s24], [sflag:$0x1] =	stream.indirect_vreg.gather [hbm4b:s5+s2], $0x80, v3, vm1, $0xb8;
	[tilespmem:$0xE180] =	vst v63  }
0x7c: {  	s6 =	rddreg [dreg:$0x4]  }
0x7d: {  	[tilespmem:s25], [sflag:$0x1] =	stream.indirect.gather [hbm4b:s6+s12], $0x80, s11, s12, $0xb8;
	[tilespmem:$0xE180] =	vst v63  }
0x7e: {  	_ =	swait.ge [sflag:s26], $0x2000  }
0x7f: {  	[sflag:s26] =	ssyncset.done $0x0  }
0x80: {  	[sflag:s26] =	ssyncadd.s32 $0xFFFFE000  }
0x81: {  	_ =	swait.ge [sflag:s26], $0xA000  }
0x82: {  	[sflag:s26] =	ssyncset.done $0x0  }
0x83: {  	[sflag:s26] =	ssyncadd.s32 $0xFFFF6000  }
0x84: {  	_ =	swait.ge [sflag:s26], $0x2000  }
0x85: {  	[sflag:s26] =	ssyncset.done $0x0  }
0x86: {  	[sflag:s26] =	ssyncadd.s32 $0xFFFFE000  }
0x87: {  	[hbm4b:s31+s2] =	stream.linear.scatter [tilespmem:s13], [sflag:$0x2], $0x2000, $0x38;
	[tilespmem:$0xE180] =	vst v63  }
0x88: {  	_ =	swait.ge [sflag:s10], $0x2000  }
0x89: {  	[sflag:s10] =	ssyncset.done $0x0  }
0x8a: {  	[sflag:s10] =	ssyncadd.s32 $0xFFFFE000  }
0x8b: {  	[hbm4b:s29+s2] =	stream.linear.scatter [tilespmem:s14], [sflag:$0x2], $0xA000, $0x38;
	[tilespmem:$0xE180] =	vst v63  }
0x8c: {  	_ =	swait.ge [sflag:s10], $0xA000  }
0x8d: {  	p0 =	sne.s32 s1, $0x78;
	[sflag:s10] =	ssyncset.done $0x0  }
.Ltmp0:
0x8e: {  	[sflag:s10] =	ssyncadd.s32 $0xFFFF6000;
	(pc) =	sbr.rel @p0 .LBB2_2-.Ltmp0, $4  }
0x8f: {  	[hbm4b:s30+s2] =	stream.linear.scatter [tilespmem:s25], [sflag:$0x2], $0x2000, $0x38;
	[tilespmem:$0xE180] =	vst v63  }
0x90: {  	_ =	swait.ge [sflag:s10], $0x2000  }
0x91: {  	s1 =	sadd.s32 $0x8, s1;
	s31 =	sadd.s32 $0x400, s31;
	[sflag:s10] =	ssyncset.done $0x0  }
0x92: {  	s29 =	sadd.s32 $0x1400, s29;
	s30 =	sadd.s32 $0x400, s30;
	[sflag:s10] =	ssyncadd.s32 $0xFFFFE000  }
0x93: {  	s28 =	sadd.s32 $0x1, s28;
	s0 =	rddreg [dreg:$0x16]  }
0x94: {  	p0 =	sne.s32 s28, s0  }
.Ltmp1:
0x95: {  	_ = 	snop;
	(pc) =	sbr.rel @p0 .LBB2_1-.Ltmp1, $1  }
0x96: {  	_ =	sdelay $0x3  }
0x97: {  	_ =	sfence.sel $0x180000  }
0x98: {  	[bflag:$0x0] =	sbarrier.arrive $0xFFFF  }
0x99: {  	_ =	strace $0x90000047  }
0x9a: {  	s0 =	stileid.u32;
	[bflag:$0x2] =	sbarrier.arrive $0xFFFF  }
0x9b: {  	p0 =	sne.s32 s0, $0x0;
	s0 =	rddreg [dreg:$0x2]  }
0x9c: {  	s0 =	sadd.s32 @!p0 $0x100000, s0  }
0x9d: {  	[sflag:s0] =	ssyncadd.tile.s32 @!p0 $0x1;
	_ =	shalt  }
.Lfunc_end2:
_tile_overlayer_lowered:
.L_overlay_start_2:
0x9e: {  	(tag) =	ssettag $0x2  }
0x9f: {  	s0 =	rddreg [dreg:$0x0];
	s2 =	stileid.u32  }
0xa0: {  	s1 =	rddreg [dreg:$0x1];
	p0 =	sne.s32 s2, $0x0  }
0xa1: {  	s3 =	rddreg [dreg:$0x2];
	[bflag:$0x3] =	sbarrier.arrive $0xFFFF;
	s2 =	simm.s32 @!p0 $0x1C02  }
0xa2: {  	[timem:s3], [sflag:s2] =	dma.local @!p0 [hbm:s0], s1  }
0xa3: {  	s0 =	simm.s32 @!p0 $0x2  }
0xa4: {  	_ =	swait.ge @!p0 [sflag:s0], s1  }
0xa5: {  	s1 =	ssub.s32 @!p0 $0x0, s1;
	[sflag:s0] =	ssyncset.done @!p0 $0x0  }
0xa6: {  	[sflag:s0] =	ssyncadd.s32 @!p0 s1  }
0xa7: {  	[bflag:$0x3] =	sbarrier.arrive $0xFFFF  }
0xa8: {  	_ =	shalt  }

</sc_bundles>
